<compile_context>
chip_gen: v7x
topology: tpu7x:2x2x1
jax: 0.10.2.dev20260603
libtpu: 0.0.44.dev20260713+nightly
codegen_flags: <defaults>
</compile_context>

<pallas_src>
import functools

import jax
import jax.numpy as jnp
from jax import lax
from jax.experimental import pallas as pl
from jax.experimental.pallas import tpu as pltpu
from jax.experimental.pallas import tpu_sc as plsc

_BATCH = 4096
_N_DEM = 128
_STATE_DIM = 8192
_CP = 4.18

_NC = 1
_NS = 8
_NW = _NC * _NS
_LANES = 16

_SC_ROWS = 128
_TC_ROWS = _BATCH - _SC_ROWS
_WROWS = _SC_ROWS // _NW
_RB = 1984


def _sc_body(inp_hbm, out_hbm, tstr_v, mf_v, out_v, sin):
    wid = lax.axis_index("s") * _NC + lax.axis_index("c")
    base = _TC_ROWS + wid * _WROWS

    pltpu.async_copy(
        inp_hbm.at[pl.ds(base, _WROWS), pl.ds(0, 2 * _N_DEM)], tstr_v, sin)
    pltpu.async_copy(
        inp_hbm.at[pl.ds(base, _WROWS), pl.ds(_BATCH, _N_DEM)], mf_v, sin)
    pltpu.make_async_copy(
        inp_hbm.at[pl.ds(base, _WROWS), pl.ds(0, 2 * _N_DEM)], tstr_v, sin).wait()
    pltpu.make_async_copy(
        inp_hbm.at[pl.ds(base, _WROWS), pl.ds(_BATCH, _N_DEM)], mf_v, sin).wait()

    def row(r, carry):
        for c in range(_N_DEM // _LANES):
            col = c * _LANES
            ts = tstr_v[r, pl.ds(col, _LANES)]
            tr = tstr_v[r, pl.ds(_N_DEM + col, _LANES)]
            mfv = mf_v[r, pl.ds(col, _LANES)]
            out_v[r, pl.ds(col, _LANES)] = mfv * ((ts - tr) * _CP)
        return carry

    lax.fori_loop(0, _WROWS, row, 0)

    pltpu.sync_copy(out_v, out_hbm.at[pl.ds(wid * _WROWS, _WROWS), :])


_demands_sc = functools.partial(
    pl.kernel,
    mesh=plsc.VectorSubcoreMesh(
        core_axis_name="c", subcore_axis_name="s",
        num_cores=_NC, num_subcores=_NS),
    out_type=jax.ShapeDtypeStruct((_SC_ROWS, _N_DEM), jnp.float32),
    scratch_types=[
        pltpu.VMEM((_WROWS, 2 * _N_DEM), jnp.float32),
        pltpu.VMEM((_WROWS, _N_DEM), jnp.float32),
        pltpu.VMEM((_WROWS, _N_DEM), jnp.float32),
        pltpu.SemaphoreType.DMA,
    ],
)(_sc_body)


def _tc_body(ts_ref, tr_ref, mf_ref, o_ref):
    o_ref[...] = mf_ref[...] * ((ts_ref[...] - tr_ref[...]) * _CP)


def _demands_tc(inputs):
    return pl.pallas_call(
        _tc_body,
        grid=(_TC_ROWS // _RB,),
        in_specs=[
            pl.BlockSpec((_RB, _N_DEM), lambda i: (i, 0)),
            pl.BlockSpec((_RB, _N_DEM), lambda i: (i, 1)),
            pl.BlockSpec((_RB, _N_DEM), lambda i: (i, 32)),
        ],
        out_specs=pl.BlockSpec((_RB, _N_DEM), lambda i: (i, 0)),
        out_shape=jax.ShapeDtypeStruct((_BATCH, _N_DEM), jnp.float32),
    )(inputs, inputs, inputs)


def kernel(inputs):
    out_sc = _demands_sc(inputs)
    out_tc = _demands_tc(inputs)
    return lax.dynamic_update_slice(out_tc, out_sc, (_TC_ROWS, 0))

# --- scband reference (transcript-rebuilt; emitter-appended) ---
"""Pipeline reference for scband-get-demands-798863917470 (READ-ONLY COPY).

The authoritative reference and input builder live on the scoring server;
editing this copy changes nothing except your own understanding.
"""

import jax, jax.numpy as jnp
import numpy as np

N_DEM = 128
N_NODES = 4096
STATE_DIM = 8192
BATCH = 4096
TS_POS = jnp.arange(0, N_DEM, dtype=jnp.int64 if jax.config.jax_enable_x64 else jnp.int32)
TR_POS = jnp.arange(N_DEM, 2 * N_DEM, dtype=TS_POS.dtype)
MF_POS = jnp.arange(N_NODES, N_NODES + N_DEM, dtype=TS_POS.dtype)


def setup_inputs(seed: int = 0) -> dict:
    key = jax.random.key(seed)
    inputs = jax.random.normal(key, (BATCH, STATE_DIM), dtype=jnp.float32)
    return {"inputs": inputs}


def reference(inputs):
    cp = jnp.asarray(4.18, dtype=inputs.dtype)
    Ts = jnp.take(inputs, TS_POS, axis=-1)
    Tr = jnp.take(inputs, TR_POS, axis=-1)
    mf = jnp.take(inputs, MF_POS, axis=-1)
    Q_heat = mf * cp * (Ts - Tr)
    return Q_heat

if __name__ == "__main__":
    import jax
    _d = setup_inputs()
    print(jax.jit(kernel)(*tuple(_d.values())))

</pallas_src>

<mosaic_0001>
#map = affine_map<(d0, d1) -> (0, 0)>
module attributes {stable_mosaic.version = 14 : i64} {
  func.func @_sc_body(%arg0: i32, %arg1: i32, %arg2: memref<4096x8192xf32, #tpu.memory_space<hbm>>, %arg3: memref<128x128xf32, #tpu.memory_space<hbm>>, %arg4: memref<16x256xf32, #tpu.memory_space<vmem>>, %arg5: memref<16x128xf32, #tpu.memory_space<vmem>>, %arg6: memref<16x128xf32, #tpu.memory_space<vmem>>, %arg7: memref<!tpu.dma_semaphore, #tpu.memory_space<semaphore_mem>>) attributes {dimension_semantics = [#tpu.dimension_semantics<core_parallel>, #tpu.dimension_semantics<subcore_parallel>], iteration_bounds = array<i64: 1, 8>, scalar_prefetch = 0 : i64, scratch_operands = 4 : i64, tpu.core_type = #tpu.core_type<sc_vector_subcore>, window_params = [{transform_indices = #map}, {transform_indices = #map}]} {
    %mul3A = arith.constant 1 : i32
    %mul3A_0 = arith.muli %arg1, %mul3A : i32
    %add3A = arith.addi %mul3A_0, %arg0 : i32
    %mul3A_1 = arith.constant 16 : i32
    %mul3A_2 = arith.muli %add3A, %mul3A_1 : i32
    %add3A_3 = arith.constant 3968 : i32
    %add3A_4 = arith.addi %add3A_3, %mul3A_2 : i32
    %dma_start3A = arith.constant 0 : i32
    %dma_start3A_5 = tpu.memref_slice %arg2[%add3A_4, %dma_start3A] : memref<4096x8192xf32, #tpu.memory_space<hbm>> -> memref<16x256xf32, #tpu.memory_space<hbm>>
    %dma_start3A_6 = arith.constant 0 : i32
    %dma_start3A_7 = tpu.memref_slice %arg2[%add3A_4, %dma_start3A_6] : memref<4096x8192xf32, #tpu.memory_space<hbm>> -> memref<16x256xf32, #tpu.memory_space<hbm>>
    tpu.enqueue_dma source(%dma_start3A_7 : memref<16x256xf32, #tpu.memory_space<hbm>>) target(%arg4 : memref<16x256xf32, #tpu.memory_space<vmem>>) target_semaphore(%arg7 : memref<!tpu.dma_semaphore, #tpu.memory_space<semaphore_mem>>)
    %dma_start3A_8 = arith.constant 4096 : i32
    %dma_start3A_9 = tpu.memref_slice %arg2[%add3A_4, %dma_start3A_8] : memref<4096x8192xf32, #tpu.memory_space<hbm>> -> memref<16x128xf32, #tpu.memory_space<hbm>>
    %dma_start3A_10 = arith.constant 4096 : i32
    %dma_start3A_11 = tpu.memref_slice %arg2[%add3A_4, %dma_start3A_10] : memref<4096x8192xf32, #tpu.memory_space<hbm>> -> memref<16x128xf32, #tpu.memory_space<hbm>>
    tpu.enqueue_dma source(%dma_start3A_11 : memref<16x128xf32, #tpu.memory_space<hbm>>) target(%arg5 : memref<16x128xf32, #tpu.memory_space<vmem>>) target_semaphore(%arg7 : memref<!tpu.dma_semaphore, #tpu.memory_space<semaphore_mem>>)
    %dma_wait3A = arith.constant 0 : i32
    %dma_wait3A_12 = tpu.memref_slice %arg2[%add3A_4, %dma_wait3A] : memref<4096x8192xf32, #tpu.memory_space<hbm>> -> memref<16x256xf32, #tpu.memory_space<hbm>>
    %dma_wait3A_13 = arith.constant 0 : i32
    %dma_wait3A_14 = tpu.memref_slice %arg2[%add3A_4, %dma_wait3A_13] : memref<4096x8192xf32, #tpu.memory_space<hbm>> -> memref<16x256xf32, #tpu.memory_space<hbm>>
    tpu.wait_dma2 semaphore(%arg7 : memref<!tpu.dma_semaphore, #tpu.memory_space<semaphore_mem>>) src(%dma_wait3A_14 : memref<16x256xf32, #tpu.memory_space<hbm>>) dst(%arg4 : memref<16x256xf32, #tpu.memory_space<vmem>>)
    %dma_wait3A_15 = arith.constant 4096 : i32
    %dma_wait3A_16 = tpu.memref_slice %arg2[%add3A_4, %dma_wait3A_15] : memref<4096x8192xf32, #tpu.memory_space<hbm>> -> memref<16x128xf32, #tpu.memory_space<hbm>>
    %dma_wait3A_17 = arith.constant 4096 : i32
    %dma_wait3A_18 = tpu.memref_slice %arg2[%add3A_4, %dma_wait3A_17] : memref<4096x8192xf32, #tpu.memory_space<hbm>> -> memref<16x128xf32, #tpu.memory_space<hbm>>
    tpu.wait_dma2 semaphore(%arg7 : memref<!tpu.dma_semaphore, #tpu.memory_space<semaphore_mem>>) src(%dma_wait3A_18 : memref<16x128xf32, #tpu.memory_space<hbm>>) dst(%arg5 : memref<16x128xf32, #tpu.memory_space<vmem>>)
    %scan3A = arith.constant 0 : i32
    %scan3A_19 = arith.constant 0 : i32
    %scan3A_20 = arith.constant 16 : i32
    %scan3A_21 = arith.addi %scan3A_19, %scan3A_20 : i32
    %scan3A_22 = arith.constant 1 : i32
    scf.for %scan3A_26 = %scan3A_19 to %scan3A_21 step %scan3A_22  : i32 {
      %get3A = arith.index_cast %scan3A_26 : i32 to index
      %get3A_27 = arith.constant 0 : index
      %get3A_28 = tpu.vector_load %arg4[%get3A, %get3A_27] {strides = array<i32>} : memref<16x256xf32, #tpu.memory_space<vmem>>, vector<1x16xf32>,
      %get3A_29 = vector.shape_cast %get3A_28 : vector<1x16xf32> to vector<16xf32>
      %get3A_30 = arith.index_cast %scan3A_26 : i32 to index
      %get3A_31 = arith.constant 128 : index
      %get3A_32 = tpu.vector_load %arg4[%get3A_30, %get3A_31] {strides = array<i32>} : memref<16x256xf32, #tpu.memory_space<vmem>>, vector<1x16xf32>,
      %get3A_33 = vector.shape_cast %get3A_32 : vector<1x16xf32> to vector<16xf32>
      %get3A_34 = arith.index_cast %scan3A_26 : i32 to index
      %get3A_35 = arith.constant 0 : index
      %get3A_36 = tpu.vector_load %arg5[%get3A_34, %get3A_35] {strides = array<i32>} : memref<16x128xf32, #tpu.memory_space<vmem>>, vector<1x16xf32>,
      %get3A_37 = vector.shape_cast %get3A_36 : vector<1x16xf32> to vector<16xf32>
      %sub3A = arith.subf %get3A_29, %get3A_33 : vector<16xf32>
      %mul3A_38 = arith.constant 4.180000e+00 : f32
      %mul3A_39 = vector.broadcast %mul3A_38 : f32 to vector<16xf32>
      %mul3A_40 = arith.mulf %sub3A, %mul3A_39 : vector<16xf32>
      %mul3A_41 = arith.mulf %get3A_37, %mul3A_40 : vector<16xf32>
      %swap3A = arith.index_cast %scan3A_26 : i32 to index
      %swap3A_42 = arith.constant 0 : index
      %swap3A_43 = tpu.vector_load %arg6[%swap3A, %swap3A_42] {strides = array<i32>} : memref<16x128xf32, #tpu.memory_space<vmem>>, vector<1x16xf32>,
      %swap3A_44 = vector.shape_cast %swap3A_43 : vector<1x16xf32> to vector<16xf32>
      %swap3A_45 = vector.shape_cast %mul3A_41 : vector<16xf32> to vector<1x16xf32>
      tpu.vector_store %arg6[%swap3A, %swap3A_42], %swap3A_45 {strides = array<i32>} : memref<16x128xf32, #tpu.memory_space<vmem>>, vector<1x16xf32>,
      %get3A_46 = arith.index_cast %scan3A_26 : i32 to index
      %get3A_47 = arith.constant 16 : index
      %get3A_48 = tpu.vector_load %arg4[%get3A_46, %get3A_47] {strides = array<i32>} : memref<16x256xf32, #tpu.memory_space<vmem>>, vector<1x16xf32>,
      %get3A_49 = vector.shape_cast %get3A_48 : vector<1x16xf32> to vector<16xf32>
      %get3A_50 = arith.index_cast %scan3A_26 : i32 to index
      %get3A_51 = arith.constant 144 : index
      %get3A_52 = tpu.vector_load %arg4[%get3A_50, %get3A_51] {strides = array<i32>} : memref<16x256xf32, #tpu.memory_space<vmem>>, vector<1x16xf32>,
      %get3A_53 = vector.shape_cast %get3A_52 : vector<1x16xf32> to vector<16xf32>
      %get3A_54 = arith.index_cast %scan3A_26 : i32 to index
      %get3A_55 = arith.constant 16 : index
      %get3A_56 = tpu.vector_load %arg5[%get3A_54, %get3A_55] {strides = array<i32>} : memref<16x128xf32, #tpu.memory_space<vmem>>, vector<1x16xf32>,
      %get3A_57 = vector.shape_cast %get3A_56 : vector<1x16xf32> to vector<16xf32>
      %sub3A_58 = arith.subf %get3A_49, %get3A_53 : vector<16xf32>
      %mul3A_59 = arith.constant 4.180000e+00 : f32
      %mul3A_60 = vector.broadcast %mul3A_59 : f32 to vector<16xf32>
      %mul3A_61 = arith.mulf %sub3A_58, %mul3A_60 : vector<16xf32>
      %mul3A_62 = arith.mulf %get3A_57, %mul3A_61 : vector<16xf32>
      %swap3A_63 = arith.index_cast %scan3A_26 : i32 to index
      %swap3A_64 = arith.constant 16 : index
      %swap3A_65 = tpu.vector_load %arg6[%swap3A_63, %swap3A_64] {strides = array<i32>} : memref<16x128xf32, #tpu.memory_space<vmem>>, vector<1x16xf32>,
      %swap3A_66 = vector.shape_cast %swap3A_65 : vector<1x16xf32> to vector<16xf32>
      %swap3A_67 = vector.shape_cast %mul3A_62 : vector<16xf32> to vector<1x16xf32>
      tpu.vector_store %arg6[%swap3A_63, %swap3A_64], %swap3A_67 {strides = array<i32>} : memref<16x128xf32, #tpu.memory_space<vmem>>, vector<1x16xf32>,
      %get3A_68 = arith.index_cast %scan3A_26 : i32 to index
      %get3A_69 = arith.constant 32 : index
      %get3A_70 = tpu.vector_load %arg4[%get3A_68, %get3A_69] {strides = array<i32>} : memref<16x256xf32, #tpu.memory_space<vmem>>, vector<1x16xf32>,
      %get3A_71 = vector.shape_cast %get3A_70 : vector<1x16xf32> to vector<16xf32>
      %get3A_72 = arith.index_cast %scan3A_26 : i32 to index
      %get3A_73 = arith.constant 160 : index
      %get3A_74 = tpu.vector_load %arg4[%get3A_72, %get3A_73] {strides = array<i32>} : memref<16x256xf32, #tpu.memory_space<vmem>>, vector<1x16xf32>,
      %get3A_75 = vector.shape_cast %get3A_74 : vector<1x16xf32> to vector<16xf32>
      %get3A_76 = arith.index_cast %scan3A_26 : i32 to index
      %get3A_77 = arith.constant 32 : index
      %get3A_78 = tpu.vector_load %arg5[%get3A_76, %get3A_77] {strides = array<i32>} : memref<16x128xf32, #tpu.memory_space<vmem>>, vector<1x16xf32>,
      %get3A_79 = vector.shape_cast %get3A_78 : vector<1x16xf32> to vector<16xf32>
      %sub3A_80 = arith.subf %get3A_71, %get3A_75 : vector<16xf32>
      %mul3A_81 = arith.constant 4.180000e+00 : f32
      %mul3A_82 = vector.broadcast %mul3A_81 : f32 to vector<16xf32>
      %mul3A_83 = arith.mulf %sub3A_80, %mul3A_82 : vector<16xf32>
      %mul3A_84 = arith.mulf %get3A_79, %mul3A_83 : vector<16xf32>
      %swap3A_85 = arith.index_cast %scan3A_26 : i32 to index
      %swap3A_86 = arith.constant 32 : index
      %swap3A_87 = tpu.vector_load %arg6[%swap3A_85, %swap3A_86] {strides = array<i32>} : memref<16x128xf32, #tpu.memory_space<vmem>>, vector<1x16xf32>,
      %swap3A_88 = vector.shape_cast %swap3A_87 : vector<1x16xf32> to vector<16xf32>
      %swap3A_89 = vector.shape_cast %mul3A_84 : vector<16xf32> to vector<1x16xf32>
      tpu.vector_store %arg6[%swap3A_85, %swap3A_86], %swap3A_89 {strides = array<i32>} : memref<16x128xf32, #tpu.memory_space<vmem>>, vector<1x16xf32>,
      %get3A_90 = arith.index_cast %scan3A_26 : i32 to index
      %get3A_91 = arith.constant 48 : index
      %get3A_92 = tpu.vector_load %arg4[%get3A_90, %get3A_91] {strides = array<i32>} : memref<16x256xf32, #tpu.memory_space<vmem>>, vector<1x16xf32>,
      %get3A_93 = vector.shape_cast %get3A_92 : vector<1x16xf32> to vector<16xf32>
      %get3A_94 = arith.index_cast %scan3A_26 : i32 to index
      %get3A_95 = arith.constant 176 : index
      %get3A_96 = tpu.vector_load %arg4[%get3A_94, %get3A_95] {strides = array<i32>} : memref<16x256xf32, #tpu.memory_space<vmem>>, vector<1x16xf32>,
      %get3A_97 = vector.shape_cast %get3A_96 : vector<1x16xf32> to vector<16xf32>
      %get3A_98 = arith.index_cast %scan3A_26 : i32 to index
      %get3A_99 = arith.constant 48 : index
      %get3A_100 = tpu.vector_load %arg5[%get3A_98, %get3A_99] {strides = array<i32>} : memref<16x128xf32, #tpu.memory_space<vmem>>, vector<1x16xf32>,
      %get3A_101 = vector.shape_cast %get3A_100 : vector<1x16xf32> to vector<16xf32>
      %sub3A_102 = arith.subf %get3A_93, %get3A_97 : vector<16xf32>
      %mul3A_103 = arith.constant 4.180000e+00 : f32
      %mul3A_104 = vector.broadcast %mul3A_103 : f32 to vector<16xf32>
      %mul3A_105 = arith.mulf %sub3A_102, %mul3A_104 : vector<16xf32>
      %mul3A_106 = arith.mulf %get3A_101, %mul3A_105 : vector<16xf32>
      %swap3A_107 = arith.index_cast %scan3A_26 : i32 to index
      %swap3A_108 = arith.constant 48 : index
      %swap3A_109 = tpu.vector_load %arg6[%swap3A_107, %swap3A_108] {strides = array<i32>} : memref<16x128xf32, #tpu.memory_space<vmem>>, vector<1x16xf32>,
      %swap3A_110 = vector.shape_cast %swap3A_109 : vector<1x16xf32> to vector<16xf32>
      %swap3A_111 = vector.shape_cast %mul3A_106 : vector<16xf32> to vector<1x16xf32>
      tpu.vector_store %arg6[%swap3A_107, %swap3A_108], %swap3A_111 {strides = array<i32>} : memref<16x128xf32, #tpu.memory_space<vmem>>, vector<1x16xf32>,
      %get3A_112 = arith.index_cast %scan3A_26 : i32 to index
      %get3A_113 = arith.constant 64 : index
      %get3A_114 = tpu.vector_load %arg4[%get3A_112, %get3A_113] {strides = array<i32>} : memref<16x256xf32, #tpu.memory_space<vmem>>, vector<1x16xf32>,
      %get3A_115 = vector.shape_cast %get3A_114 : vector<1x16xf32> to vector<16xf32>
      %get3A_116 = arith.index_cast %scan3A_26 : i32 to index
      %get3A_117 = arith.constant 192 : index
      %get3A_118 = tpu.vector_load %arg4[%get3A_116, %get3A_117] {strides = array<i32>} : memref<16x256xf32, #tpu.memory_space<vmem>>, vector<1x16xf32>,
      %get3A_119 = vector.shape_cast %get3A_118 : vector<1x16xf32> to vector<16xf32>
      %get3A_120 = arith.index_cast %scan3A_26 : i32 to index
      %get3A_121 = arith.constant 64 : index
      %get3A_122 = tpu.vector_load %arg5[%get3A_120, %get3A_121] {strides = array<i32>} : memref<16x128xf32, #tpu.memory_space<vmem>>, vector<1x16xf32>,
      %get3A_123 = vector.shape_cast %get3A_122 : vector<1x16xf32> to vector<16xf32>
      %sub3A_124 = arith.subf %get3A_115, %get3A_119 : vector<16xf32>
      %mul3A_125 = arith.constant 4.180000e+00 : f32
      %mul3A_126 = vector.broadcast %mul3A_125 : f32 to vector<16xf32>
      %mul3A_127 = arith.mulf %sub3A_124, %mul3A_126 : vector<16xf32>
      %mul3A_128 = arith.mulf %get3A_123, %mul3A_127 : vector<16xf32>
      %swap3A_129 = arith.index_cast %scan3A_26 : i32 to index
      %swap3A_130 = arith.constant 64 : index
      %swap3A_131 = tpu.vector_load %arg6[%swap3A_129, %swap3A_130] {strides = array<i32>} : memref<16x128xf32, #tpu.memory_space<vmem>>, vector<1x16xf32>,
      %swap3A_132 = vector.shape_cast %swap3A_131 : vector<1x16xf32> to vector<16xf32>
      %swap3A_133 = vector.shape_cast %mul3A_128 : vector<16xf32> to vector<1x16xf32>
      tpu.vector_store %arg6[%swap3A_129, %swap3A_130], %swap3A_133 {strides = array<i32>} : memref<16x128xf32, #tpu.memory_space<vmem>>, vector<1x16xf32>,
      %get3A_134 = arith.index_cast %scan3A_26 : i32 to index
      %get3A_135 = arith.constant 80 : index
      %get3A_136 = tpu.vector_load %arg4[%get3A_134, %get3A_135] {strides = array<i32>} : memref<16x256xf32, #tpu.memory_space<vmem>>, vector<1x16xf32>,
      %get3A_137 = vector.shape_cast %get3A_136 : vector<1x16xf32> to vector<16xf32>
      %get3A_138 = arith.index_cast %scan3A_26 : i32 to index
      %get3A_139 = arith.constant 208 : index
      %get3A_140 = tpu.vector_load %arg4[%get3A_138, %get3A_139] {strides = array<i32>} : memref<16x256xf32, #tpu.memory_space<vmem>>, vector<1x16xf32>,
      %get3A_141 = vector.shape_cast %get3A_140 : vector<1x16xf32> to vector<16xf32>
      %get3A_142 = arith.index_cast %scan3A_26 : i32 to index
      %get3A_143 = arith.constant 80 : index
      %get3A_144 = tpu.vector_load %arg5[%get3A_142, %get3A_143] {strides = array<i32>} : memref<16x128xf32, #tpu.memory_space<vmem>>, vector<1x16xf32>,
      %get3A_145 = vector.shape_cast %get3A_144 : vector<1x16xf32> to vector<16xf32>
      %sub3A_146 = arith.subf %get3A_137, %get3A_141 : vector<16xf32>
      %mul3A_147 = arith.constant 4.180000e+00 : f32
      %mul3A_148 = vector.broadcast %mul3A_147 : f32 to vector<16xf32>
      %mul3A_149 = arith.mulf %sub3A_146, %mul3A_148 : vector<16xf32>
      %mul3A_150 = arith.mulf %get3A_145, %mul3A_149 : vector<16xf32>
      %swap3A_151 = arith.index_cast %scan3A_26 : i32 to index
      %swap3A_152 = arith.constant 80 : index
      %swap3A_153 = tpu.vector_load %arg6[%swap3A_151, %swap3A_152] {strides = array<i32>} : memref<16x128xf32, #tpu.memory_space<vmem>>, vector<1x16xf32>,
      %swap3A_154 = vector.shape_cast %swap3A_153 : vector<1x16xf32> to vector<16xf32>
      %swap3A_155 = vector.shape_cast %mul3A_150 : vector<16xf32> to vector<1x16xf32>
      tpu.vector_store %arg6[%swap3A_151, %swap3A_152], %swap3A_155 {strides = array<i32>} : memref<16x128xf32, #tpu.memory_space<vmem>>, vector<1x16xf32>,
      %get3A_156 = arith.index_cast %scan3A_26 : i32 to index
      %get3A_157 = arith.constant 96 : index
      %get3A_158 = tpu.vector_load %arg4[%get3A_156, %get3A_157] {strides = array<i32>} : memref<16x256xf32, #tpu.memory_space<vmem>>, vector<1x16xf32>,
      %get3A_159 = vector.shape_cast %get3A_158 : vector<1x16xf32> to vector<16xf32>
      %get3A_160 = arith.index_cast %scan3A_26 : i32 to index
      %get3A_161 = arith.constant 224 : index
      %get3A_162 = tpu.vector_load %arg4[%get3A_160, %get3A_161] {strides = array<i32>} : memref<16x256xf32, #tpu.memory_space<vmem>>, vector<1x16xf32>,
      %get3A_163 = vector.shape_cast %get3A_162 : vector<1x16xf32> to vector<16xf32>
      %get3A_164 = arith.index_cast %scan3A_26 : i32 to index
      %get3A_165 = arith.constant 96 : index
      %get3A_166 = tpu.vector_load %arg5[%get3A_164, %get3A_165] {strides = array<i32>} : memref<16x128xf32, #tpu.memory_space<vmem>>, vector<1x16xf32>,
      %get3A_167 = vector.shape_cast %get3A_166 : vector<1x16xf32> to vector<16xf32>
      %sub3A_168 = arith.subf %get3A_159, %get3A_163 : vector<16xf32>
      %mul3A_169 = arith.constant 4.180000e+00 : f32
      %mul3A_170 = vector.broadcast %mul3A_169 : f32 to vector<16xf32>
      %mul3A_171 = arith.mulf %sub3A_168, %mul3A_170 : vector<16xf32>
      %mul3A_172 = arith.mulf %get3A_167, %mul3A_171 : vector<16xf32>
      %swap3A_173 = arith.index_cast %scan3A_26 : i32 to index
      %swap3A_174 = arith.constant 96 : index
      %swap3A_175 = tpu.vector_load %arg6[%swap3A_173, %swap3A_174] {strides = array<i32>} : memref<16x128xf32, #tpu.memory_space<vmem>>, vector<1x16xf32>,
      %swap3A_176 = vector.shape_cast %swap3A_175 : vector<1x16xf32> to vector<16xf32>
      %swap3A_177 = vector.shape_cast %mul3A_172 : vector<16xf32> to vector<1x16xf32>
      tpu.vector_store %arg6[%swap3A_173, %swap3A_174], %swap3A_177 {strides = array<i32>} : memref<16x128xf32, #tpu.memory_space<vmem>>, vector<1x16xf32>,
      %get3A_178 = arith.index_cast %scan3A_26 : i32 to index
      %get3A_179 = arith.constant 112 : index
      %get3A_180 = tpu.vector_load %arg4[%get3A_178, %get3A_179] {strides = array<i32>} : memref<16x256xf32, #tpu.memory_space<vmem>>, vector<1x16xf32>,
      %get3A_181 = vector.shape_cast %get3A_180 : vector<1x16xf32> to vector<16xf32>
      %get3A_182 = arith.index_cast %scan3A_26 : i32 to index
      %get3A_183 = arith.constant 240 : index
      %get3A_184 = tpu.vector_load %arg4[%get3A_182, %get3A_183] {strides = array<i32>} : memref<16x256xf32, #tpu.memory_space<vmem>>, vector<1x16xf32>,
      %get3A_185 = vector.shape_cast %get3A_184 : vector<1x16xf32> to vector<16xf32>
      %get3A_186 = arith.index_cast %scan3A_26 : i32 to index
      %get3A_187 = arith.constant 112 : index
      %get3A_188 = tpu.vector_load %arg5[%get3A_186, %get3A_187] {strides = array<i32>} : memref<16x128xf32, #tpu.memory_space<vmem>>, vector<1x16xf32>,
      %get3A_189 = vector.shape_cast %get3A_188 : vector<1x16xf32> to vector<16xf32>
      %sub3A_190 = arith.subf %get3A_181, %get3A_185 : vector<16xf32>
      %mul3A_191 = arith.constant 4.180000e+00 : f32
      %mul3A_192 = vector.broadcast %mul3A_191 : f32 to vector<16xf32>
      %mul3A_193 = arith.mulf %sub3A_190, %mul3A_192 : vector<16xf32>
      %mul3A_194 = arith.mulf %get3A_189, %mul3A_193 : vector<16xf32>
      %swap3A_195 = arith.index_cast %scan3A_26 : i32 to index
      %swap3A_196 = arith.constant 112 : index
      %swap3A_197 = tpu.vector_load %arg6[%swap3A_195, %swap3A_196] {strides = array<i32>} : memref<16x128xf32, #tpu.memory_space<vmem>>, vector<1x16xf32>,
      %swap3A_198 = vector.shape_cast %swap3A_197 : vector<1x16xf32> to vector<16xf32>
      %swap3A_199 = vector.shape_cast %mul3A_194 : vector<16xf32> to vector<1x16xf32>
      tpu.vector_store %arg6[%swap3A_195, %swap3A_196], %swap3A_199 {strides = array<i32>} : memref<16x128xf32, #tpu.memory_space<vmem>>, vector<1x16xf32>,
    }
    %scan3A_23 = arith.constant 16 : i32
    %mul3A_24 = arith.constant 16 : i32
    %mul3A_25 = arith.muli %add3A, %mul3A_24 : i32
    "tpu.region"() ({
      %run_scoped3A = tpu.sem_alloc : memref<!tpu.dma_semaphore, #tpu.memory_space<semaphore_mem>>
      %dma_start3A_26 = arith.constant 0 : i32
      %dma_start3A_27 = tpu.memref_slice %arg3[%mul3A_25, %dma_start3A_26] : memref<128x128xf32, #tpu.memory_space<hbm>> -> memref<16x128xf32, #tpu.memory_space<hbm>>
      %dma_start3A_28 = arith.constant 0 : i32
      %dma_start3A_29 = tpu.memref_slice %arg3[%mul3A_25, %dma_start3A_28] : memref<128x128xf32, #tpu.memory_space<hbm>> -> memref<16x128xf32, #tpu.memory_space<hbm>>
      tpu.enqueue_dma source(%arg6 : memref<16x128xf32, #tpu.memory_space<vmem>>) target(%dma_start3A_29 : memref<16x128xf32, #tpu.memory_space<hbm>>) target_semaphore(%run_scoped3A : memref<!tpu.dma_semaphore, #tpu.memory_space<semaphore_mem>>)
      %dma_wait3A_30 = arith.constant 0 : i32
      %dma_wait3A_31 = tpu.memref_slice %arg3[%mul3A_25, %dma_wait3A_30] : memref<128x128xf32, #tpu.memory_space<hbm>> -> memref<16x128xf32, #tpu.memory_space<hbm>>
      %dma_wait3A_32 = arith.constant 0 : i32
      %dma_wait3A_33 = tpu.memref_slice %arg3[%mul3A_25, %dma_wait3A_32] : memref<128x128xf32, #tpu.memory_space<hbm>> -> memref<16x128xf32, #tpu.memory_space<hbm>>
      tpu.wait_dma2 semaphore(%run_scoped3A : memref<!tpu.dma_semaphore, #tpu.memory_space<semaphore_mem>>) src(%arg6 : memref<16x128xf32, #tpu.memory_space<vmem>>) dst(%dma_wait3A_33 : memref<16x128xf32, #tpu.memory_space<hbm>>)
      tpu.yield
    }) : () -> ()
    return
  }
}

module attributes {stable_mosaic.version = 14 : i64} {
  func.func @_tc_body(%arg0: i32, %arg1: memref<1984x128xf32, #tpu.memory_space<vmem>>, %arg2: memref<1984x128xf32, #tpu.memory_space<vmem>>, %arg3: memref<1984x128xf32, #tpu.memory_space<vmem>>, %arg4: memref<1984x128xf32, #tpu.memory_space<vmem>>) attributes {dimension_semantics = [#tpu.dimension_semantics<arbitrary>], iteration_bounds = array<i64: 2>, scalar_prefetch = 0 : i64, scratch_operands = 0 : i64, tpu.core_type = #tpu.core_type<tc>, window_params = [{transform_indices = @transform_0, window_bounds = array<i64: 1984, 128>}, {transform_indices = @transform_1, window_bounds = array<i64: 1984, 128>}, {transform_indices = @transform_2, window_bounds = array<i64: 1984, 128>}, {transform_indices = @transform_3, window_bounds = array<i64: 1984, 128>}]} {
    %get3A = arith.constant 0 : index
    %get3A_0 = arith.constant 0 : index
    %get3A_1 = vector.load %arg3[%get3A, %get3A_0] : memref<1984x128xf32, #tpu.memory_space<vmem>>, vector<1984x128xf32>
    %get3A_2 = arith.constant 0 : index
    %get3A_3 = arith.constant 0 : index
    %get3A_4 = vector.load %arg1[%get3A_2, %get3A_3] : memref<1984x128xf32, #tpu.memory_space<vmem>>, vector<1984x128xf32>
    %get3A_5 = arith.constant 0 : index
    %get3A_6 = arith.constant 0 : index
    %get3A_7 = vector.load %arg2[%get3A_5, %get3A_6] : memref<1984x128xf32, #tpu.memory_space<vmem>>, vector<1984x128xf32>
    %sub3A = arith.subf %get3A_4, %get3A_7 : vector<1984x128xf32>
    %mul3A = arith.constant 4.180000e+00 : f32
    %mul3A_8 = vector.broadcast %mul3A : f32 to vector<1984x128xf32>
    %mul3A_9 = arith.mulf %sub3A, %mul3A_8 : vector<1984x128xf32>
    %mul3A_10 = arith.mulf %get3A_1, %mul3A_9 : vector<1984x128xf32>
    %swap3A = arith.constant 0 : index
    %swap3A_11 = arith.constant 0 : index
    %swap3A_12 = vector.load %arg4[%swap3A, %swap3A_11] : memref<1984x128xf32, #tpu.memory_space<vmem>>, vector<1984x128xf32>
    tpu.vector_store %arg4[%swap3A, %swap3A_11], %mul3A_10 {strides = array<i32>} : memref<1984x128xf32, #tpu.memory_space<vmem>>, vector<1984x128xf32>,
    return
  }
  func.func @transform_0(%arg0: i32) -> (i32, i32) {
    %c0_i32 = arith.constant 0 : i32
    %c0_i32_0 = arith.constant 0 : i32
    return %arg0, %c0_i32 : i32, i32
  }
  func.func @transform_1(%arg0: i32) -> (i32, i32) {
    %c1_i32 = arith.constant 1 : i32
    %c0_i32 = arith.constant 0 : i32
    return %arg0, %c1_i32 : i32, i32
  }
  func.func @transform_2(%arg0: i32) -> (i32, i32) {
    %c32_i32 = arith.constant 32 : i32
    %c0_i32 = arith.constant 0 : i32
    return %arg0, %c32_i32 : i32, i32
  }
  func.func @transform_3(%arg0: i32) -> (i32, i32) {
    %c0_i32 = arith.constant 0 : i32
    %c0_i32_0 = arith.constant 0 : i32
    return %arg0, %c0_i32 : i32, i32
  }
}

</mosaic_0001>

<sc_bundles>
// kernel: kernel.4.cloned.1.call-start
scs
__scs_entry_jumppad:
0x0: {  	(pc) =	sbr.rel $0x88, $3  }
0x1: {  	(tag) =	ssettag $0x0;
	lr =	simm.s32 $0x1  }
0x2: {  	[smem:$0x3FA0] =	sst lr;
	_ =	strace $0xD0000000  }
0x3: {  	_ = 	snop  }
0x4: {  	_ = 	snop  }
0x5: {  	_ = 	snop  }
0x6: {  	_ = 	snop  }
0x7: {  	_ = 	snop  }
__scs_overlays_trampoline_lowered:
0x8: {  	[smem:$0x3FAF] =	sst s0  }
0x9: {  	[smem:$0x3FB0] =	sst s1  }
0xa: {  	[smem:$0x3FB1] =	sst s2  }
0xb: {  	[smem:$0x3FB2] =	sst s3  }
0xc: {  	[smem:$0x3FB3] =	sst s4  }
0xd: {  	[smem:$0x3FB4] =	sst s5  }
0xe: {  	[smem:$0x3FB5] =	sst s6  }
0xf: {  	[smem:$0x3FB6] =	sst s7  }
0x10: {  	[smem:$0x3FB7] =	sst s8  }
0x11: {  	[smem:$0x3FB8] =	sst s9;
	s0 =	simm.s32 @!p0 $0x0  }
0x12: {  	s1 =	sld [smem:$0x3F9E];
	s0 =	simm.s32 @p0 $0x1  }
0x13: {  	[smem:$0x3FB9] =	sst s0;
	s0 =	simm.s32 @!p1 $0x0  }
0x14: {  	s2 =	sld [smem:$0x3F9D];
	s0 =	simm.s32 @p1 $0x1  }
0x15: {  	[smem:$0x3FBA] =	sst s0;
	s0 =	simm.s32 @!p2 $0x0  }
0x16: {  	s3 =	sld [smem:$0x3FDB];
	s0 =	simm.s32 @p2 $0x1  }
0x17: {  	s4 =	simm.s32 $0x1BF5;
	[smem:$0x3FBC] =	sst s0  }
0x18: {  	s0 =	sld [smem:$0x3F9F];
	_ =	swait.ge [sflag:s4], $0x0  }
0x19: {  	s7 =	sld [smem:$0x3FA0]  }
0x1a: {  	s8 =	sadd.s32 $0xFFFFE003, lr  }
0x1b: {  	s9 =	sadd.s32 $0xFFFFFEF7, lr;
	s5 =	simm.s32 $0xFFFFFFFF;
	p2 =	slt.u32 s8, $0xFFFFF086  }
0x1c: {  	p1 =	slt.u32 s9, $0xF7A;
	s5 =	simm.s32 @!p2 $0x0  }
0x1d: {  	s5 =	simm.s32 @p1 $0x1;
	p0 =	seq.s32 s7, s2  }
0x1e: {  	s7 =	smul.u32 @!p0 $0xF7A, s2;
	p2 =	seq.s32 @!p0 s5, $0x0  }
0x1f: {  	s9 =	smul.u32 $0xF7A, s1;
	s8 =	simm.s32 @!p0 $0x1BF5;
	p2 =	por !p2, p0  }
0x20: {  	[sflag:s8] =	ssyncset.s32 @!p0 $0xFFFFF086;
	s6 =	sadd.s32 @!p0 s3, s7;
	s7 =	simm.s32 @!p0 $0x108  }
0x21: {  	s3 =	sadd.s32 s3, s9;
	s6 =	sadd.s32 @!p0 $0x88, s6;
	s7 =	simm.s32 @p2 $0x1082  }
0x22: {  	[simem:s7], [sflag:s8] =	dma.local @!p0 [hbm:s6], $0xF7A  }
0x23: {  	s9 =	sor.u32 $0xD0000000, s2;
	s6 =	simm.s32 $0x108;
	_ =	swait.ge @!p0 [sflag:s8], $0x0  }
0x24: {  	s3 =	sadd.s32 $0x88, s3;
	s6 =	simm.s32 @!p1 $0x1082;
	[sflag:s4] =	ssyncset.s32 $0xFFFFF086  }
0x25: {  	[simem:s6], [sflag:s4] =	dma.local [hbm:s3], $0xF7A  }
0x26: {  	[smem:$0x3FA0] =	sst s1;
	(tag) =	ssettag s2;
	_ =	strace s9  }
0x27: {  	s1 =	sld [smem:$0x3FB0]  }
0x28: {  	s2 =	sld [smem:$0x3FB1]  }
0x29: {  	s4 =	sld [smem:$0x3FB3]  }
0x2a: {  	p0 =	seq.s32 s5, $0x0;
	s5 =	sld [smem:$0x3FB4]  }
0x2b: {  	s6 =	sld [smem:$0x3FB5]  }
0x2c: {  	s7 =	sld [smem:$0x3FB6]  }
0x2d: {  	s3 =	simm.s32 $0x108;
	s8 =	sld [smem:$0x3FB7]  }
0x2e: {  	s3 =	simm.s32 @!p0 $0x1082;
	s9 =	sld [smem:$0x3FB8]  }
0x2f: {  	lr =	sadd.s32 s0, s3;
	s0 =	sld [smem:$0x3FAF]  }
0x30: {  	s3 =	sld [smem:$0x3FB2]  }
0x31: {  	[smem:$0x3FBB] =	sst s10  }
0x32: {  	s10 =	sld [smem:$0x3FB9];
	_ =	sdelay $0x3  }
0x33: {  	p0 =	seq.s32 s10, $0x1;
	s10 =	sld [smem:$0x3FBB];
	_ =	sdelay $0x3  }
0x34: {  	[smem:$0x3FBB] =	sst s10  }
0x35: {  	s10 =	sld [smem:$0x3FBA];
	_ =	sdelay $0x3  }
0x36: {  	p1 =	seq.s32 s10, $0x1;
	s10 =	sld [smem:$0x3FBB];
	_ =	sdelay $0x3  }
0x37: {  	[smem:$0x3FBB] =	sst s10  }
0x38: {  	s10 =	sld [smem:$0x3FBC]  }
0x39: {  	_ = 	snop;
	(pc) =	sbr.ind lr, $3  }
0x3a: {  	_ = 	snop  }
0x3b: {  	_ = 	snop  }
0x3c: {  	p2 =	seq.s32 s10, $0x1;
	s10 =	sld [smem:$0x3FBB]  }
0x3d: {  	_ =	shalt  }
0x3e: {  	_ =	shalt  }
0x3f: {  	_ =	shalt  }
0x40: {  	_ =	shalt  }
0x41: {  	_ =	shalt  }
0x42: {  	_ =	shalt  }
0x43: {  	_ =	shalt  }
0x44: {  	_ =	shalt  }
0x45: {  	_ =	shalt  }
0x46: {  	_ =	shalt  }
0x47: {  	_ =	shalt  }
0x48: {  	_ =	shalt  }
0x49: {  	_ =	shalt  }
0x4a: {  	_ =	shalt  }
0x4b: {  	_ =	shalt  }
0x4c: {  	_ =	shalt  }
0x4d: {  	_ =	shalt  }
0x4e: {  	_ =	shalt  }
0x4f: {  	_ =	shalt  }
0x50: {  	_ =	shalt  }
0x51: {  	_ =	shalt  }
0x52: {  	_ =	shalt  }
0x53: {  	_ =	shalt  }
0x54: {  	_ =	shalt  }
0x55: {  	_ =	shalt  }
0x56: {  	_ =	shalt  }
0x57: {  	_ =	shalt  }
0x58: {  	_ =	shalt  }
0x59: {  	_ =	shalt  }
0x5a: {  	_ =	shalt  }
0x5b: {  	_ =	shalt  }
0x5c: {  	_ =	shalt  }
0x5d: {  	_ =	shalt  }
0x5e: {  	_ =	shalt  }
0x5f: {  	_ =	shalt  }
0x60: {  	_ =	shalt  }
0x61: {  	_ =	shalt  }
0x62: {  	_ =	shalt  }
0x63: {  	_ =	shalt  }
0x64: {  	_ =	shalt  }
0x65: {  	_ =	shalt  }
0x66: {  	_ =	shalt  }
0x67: {  	_ =	shalt  }
0x68: {  	_ =	shalt  }
0x69: {  	_ =	shalt  }
0x6a: {  	_ =	shalt  }
0x6b: {  	_ =	shalt  }
0x6c: {  	_ =	shalt  }
0x6d: {  	_ =	shalt  }
0x6e: {  	_ =	shalt  }
0x6f: {  	_ =	shalt  }
0x70: {  	_ =	shalt  }
0x71: {  	_ =	shalt  }
0x72: {  	_ =	shalt  }
0x73: {  	_ =	shalt  }
0x74: {  	_ =	shalt  }
0x75: {  	_ =	shalt  }
0x76: {  	_ =	shalt  }
0x77: {  	_ =	shalt  }
0x78: {  	_ =	shalt  }
0x79: {  	_ =	shalt  }
0x7a: {  	_ =	shalt  }
0x7b: {  	_ =	shalt  }
0x7c: {  	_ =	shalt  }
0x7d: {  	_ =	shalt  }
0x7e: {  	_ =	shalt  }
0x7f: {  	_ =	shalt  }
0x80: {  	_ =	shalt  }
0x81: {  	_ =	shalt  }
0x82: {  	_ =	shalt  }
0x83: {  	_ =	shalt  }
0x84: {  	_ =	shalt  }
0x85: {  	_ =	shalt  }
0x86: {  	_ =	shalt  }
0x87: {  	_ =	shalt  }
.Lfunc_end0:
.L_simem_size_0:
called_computation_lowered:
.L_overlay_start_0:
0x88: {  	s0 =	sld [smem:$0x3FD9]  }
0x89: {  	s1 =	sld [smem:$0x3FFE];
	_ =	sdelay $0x3  }
0x8a: {  	s0 =	sadd.s32 s1, s0  }
0x8b: {  	[smem:$0x3FC7] =	sst s0  }
0x8c: {  	_ = 	snop  }
0x8d: {  	s0 =	sld [smem:$0x3FC9];
	(tm) =	ssettm $0x1  }
0x8e: {  	s16 =	sld [smem:$0x3FFB];
	_ =	sdelay $0x3  }
0x8f: {  	_ =	strace s16  }
0x90: {  	s1 =	sld [smem:$0x3FFC];
	_ =	sdelay $0x3  }
0x91: {  	_ =	strace s1  }
0x92: {  	s1 =	sld [smem:$0x3FFD];
	_ =	sdelay $0x3  }
0x93: {  	_ =	strace s1  }
0x94: {  	_ =	strace $0x8FFFFFFF  }
0x95: {  	s17 =	sld [smem:$0x3FDB];
	_ =	sdelay $0x1  }
0x96: {  	s2 =	simm.s32 $_scs_section_size  }
0x97: {  	s3 =	simm.s32 $_size__tile_overlayer_lowered;
	s4 =	simm.s32 $_tile_overlayer_lowered  }
0x98: {  	s20 =	simm.s32 $0x1BFF;
	s19 =	sshll.u32 s4, $0x1;
	s1 =	sadd.s32 s2, s17  }
0x99: {  	s5 =	simm.s32 $0x0;
	s18 =	sshll.u32 s3, $0x1;
	s3 =	sadd.s32 s19, s1  }
0x9a: {  	[timem:s5], [sflag:s20] =	dma.local [hbm:s3], s18  }
0x9b: {  	_ =	swait.ge [sflag:s20], s18  }
0x9c: {  	s2 =	ssub.s32 $0x0, s18;
	[sflag:s20] =	ssyncset.done $0x0  }
0x9d: {  	[sflag:s20] =	ssyncadd.s32 s2;
	_ =	sdelay $0x1  }
0x9e: {  	s21 =	simm.s32 $0x1B8B  }
0x9f: {  	_ =	swait.ge [sflag:s21], $0x1  }
0xa0: {  	[sflag:s21] =	ssyncset.done $0x0  }
0xa1: {  	s23 =	simm.s32 $0x1B8E;
	s22 =	sld [smem:$0x3FFE];
	[sflag:s21] =	ssyncadd.s32 $0xFFFFFFFF  }
0xa2: {  	s24 =	simm.s32 $execute0_lowered;
	[smem:$0x3FD2] =	sst s23  }
0xa3: {  	s3 =	sshll.u32 s24, $0x1;
	_ =	strace $0x80000046;
	[dreg:$0x1] =	wrdreg $0xFFFFFFFF  }
0xa4: {  	s25 =	simm.s32 $_size_execute0_lowered;
	s1 =	sadd.s32 s1, s3;
	[dreg:$0x0] =	wrdreg $0x0  }
0xa5: {  	s3 =	sshll.u32 s25, $0x1;
	[dreg:$0x2] =	wrdreg s1  }
0xa6: {  	[dreg:$0x3] =	wrdreg s3  }
0xa7: {  	[dreg:$0x4] =	wrdreg $0xC0  }
0xa8: {  	_ =	task [dreg:s5], $0x5FFFF  }
0xa9: {  	[dreg:$0x1] =	wrdreg $0xFFFFFFFF  }
0xaa: {  	[dreg:$0x0] =	wrdreg $0x60  }
0xab: {  	[dreg:$0x2] =	wrdreg s0  }
0xac: {  	[dreg:$0x3] =	wrdreg s22  }
0xad: {  	[dreg:$0x4] =	wrdreg $0x9  }
0xae: {  	_ =	task.clear_ibuf [dreg:s5], $0x5FFFF;
	_ =	strace $0x90000046  }
0xaf: {  	s26 =	simm.s32 $0x9;
	_ =	strace $0x80000048  }
0xb0: {  	_ =	swait.ge [sflag:s26], $0x1  }
0xb1: {  	[sflag:s26] =	ssyncadd.s32 $0xFFFFFFFF  }
0xb2: {  	_ =	strace $0x90000048  }
0xb3: {  	_ =	sfence  }
0xb4: {  	s28 =	sld [smem:$0x0];
	_ =	sdelay $0x1  }
0xb5: {  	s29 =	srdreg.scid  }
0xb6: {  	s30 =	sshll.u32 s29, $0xD;
	s31 =	sshrl.u32 s29, $0x2  }
0xb7: {  	s2 =	sand.u32 $0x4000, s30;
	s1 =	sand.u32 $0x1, s29;
	s0 =	sadd.s32 s31, s28  }
0xb8: {  	s1 =	sor.u32 s2, s1;
	s0 =	sshll.u32 s0, $0x11  }
0xb9: {  	s0 =	sor.u32 s0, s1  }
0xba: {  	s0 =	sadd.s32 $0x8F2B, s0  }
0xbb: {  	[sflag:s0] =	ssyncadd.remote.s32 $0x1  }
0xbc: {  	_ =	sfence.sel $0xFFFF  }
0xbd: {  	[dreg:$0x0] =	wrdreg $0xFFFFFFFF;
	(pc) =	sbr.abs _section_cstart, $3  }
0xbe: {  	[dreg:$0x1] =	wrdreg $0xFFFFFFFF  }
0xbf: {  	_ =	task.clear_ibuf [dreg:s5], $0x2FFFF;
	_ =	strace $0x9FFFFFFF  }
0xc0: {  	(tm) =	ssettm $0x7FFFFFFF  }
0xc1: {  	_ =	shalt  }
tec
execute0_lowered:
.L_overlay_start_1:
0x0: {  	(tag) =	ssettag $0x1  }
0x1: {  	s1 =	stileid.u32  }
0x2: {  	p0 =	sgt.u32 s1, $0x7  }
.Ltmp0:
0x3: {  	_ = 	snop;
	(pc) =	sbr.rel @p0 .LBB2_4-.Ltmp0, $4  }
0x4: {  	s3 =	rddreg [dreg:$0x0]  }
0x5: {  	s5 =	rddreg [dreg:$0x1];
	s2 =	simm.s32 $0x0  }
0x6: {  	[smem:$0x7FF] =	sst s2  }
0x7: {  	s0 =	rddreg [dreg:$0x2];
	_ =	strace $0x80000047  }
0x8: {  	s4 =	sshll.u32 s1, $0xE  }
0x9: {  	s6 =	simm.s32 $0x800;
	s3 =	sadd.s32 s4, s3  }
0xa: {  	s7 =	simm.s32 $0x10000;
	s25 =	simm.s32 $0x400;
	s4 =	sadd.s32 $0x3E0000, s3  }
0xb: {  	[tilespmem:s2], [sflag:$0x1] =	stream.strided.gather [hbm4b:s4+s6], $0x1000, s7, s6, $0x38;
	[tilespmem:$0x2000] =	vst v63  }
0xc: {  	s26 =	simm.s32 $0x1000;
	s28 =	simm.s32 $0x1;
	s3 =	sadd.s32 $0x3E1000, s3  }
0xd: {  	[tilespmem:s26], [sflag:$0x1] =	stream.strided.gather [hbm4b:s3+s25], $0x800, s7, s25, $0x38;
	[tilespmem:$0x2000] =	vst v63  }
0xe: {  	_ =	swait.ge [sflag:s28], $0x1000  }
0xf: {  	[sflag:s28] =	ssyncset.done $0x0  }
0x10: {  	[sflag:s28] =	ssyncadd.s32 $0xFFFFF000  }
0x11: {  	_ =	swait.ge [sflag:s28], $0x800  }
0x12: {  	s29 =	sand.u32 $0x800, s2;
	s30 =	sand.u32 $0x380, s2;
	[sflag:s28] =	ssyncset.done $0x0  }
0x13: {  	s6 =	sor.u32 s30, s29;
	[sflag:s28] =	ssyncadd.s32 $0xFFFFF800  }
0x14: {  	v0 =	vld [tilespmem:s6+$0x0]  }
0x15: {  	v1 =	vld [tilespmem:s6+$0x400];
	_ =	sdelay $0x2  }
0x16: {  	s3 =	simm.s32 $0x1040  }
0x17: {  	v2 =	vld [tilespmem:s3+$0xFFFFFFC0]  }
0x18: {  	v0 =	vsub.f32 v0, v1;
	_ =	sdelay $0x1  }
0x19: {  	v0 =	vmul.f32 $4.179999830e+00, v0;
	_ =	sdelay $0x1  }
0x1a: {  	v0 =	vmul.f32 v0, v2  }
0x1b: {  	s4 =	simm.s32 $0x1840  }
0x1c: {  	[tilespmem:s4+$0xFFFFFFC0] =	vst v0  }
0x1d: {  	v0 =	vld [tilespmem:s6+$0x10]  }
0x1e: {  	v1 =	vld [tilespmem:s6+$0x410];
	_ =	sdelay $0x3  }
0x1f: {  	v2 =	vld [tilespmem:s3+$0xFFFFFFD0]  }
0x20: {  	v0 =	vsub.f32 v0, v1;
	_ =	sdelay $0x1  }
0x21: {  	v0 =	vmul.f32 $4.179999830e+00, v0;
	_ =	sdelay $0x1  }
0x22: {  	v0 =	vmul.f32 v0, v2;
	_ =	sdelay $0x1  }
0x23: {  	[tilespmem:s4+$0xFFFFFFD0] =	vst v0  }
0x24: {  	v0 =	vld [tilespmem:s6+$0x20]  }
0x25: {  	v1 =	vld [tilespmem:s6+$0x420];
	_ =	sdelay $0x3  }
0x26: {  	v2 =	vld [tilespmem:s3+$0xFFFFFFE0]  }
0x27: {  	v0 =	vsub.f32 v0, v1;
	_ =	sdelay $0x1  }
0x28: {  	v0 =	vmul.f32 $4.179999830e+00, v0;
	_ =	sdelay $0x1  }
0x29: {  	v0 =	vmul.f32 v0, v2;
	_ =	sdelay $0x1  }
0x2a: {  	[tilespmem:s4+$0xFFFFFFE0] =	vst v0  }
0x2b: {  	v0 =	vld [tilespmem:s6+$0x30]  }
0x2c: {  	v1 =	vld [tilespmem:s6+$0x430];
	_ =	sdelay $0x3  }
0x2d: {  	v2 =	vld [tilespmem:s3+$0xFFFFFFF0]  }
0x2e: {  	v0 =	vsub.f32 v0, v1;
	_ =	sdelay $0x1  }
0x2f: {  	v0 =	vmul.f32 $4.179999830e+00, v0;
	_ =	sdelay $0x1  }
0x30: {  	v0 =	vmul.f32 v0, v2;
	_ =	sdelay $0x1  }
0x31: {  	[tilespmem:s4+$0xFFFFFFF0] =	vst v0  }
0x32: {  	v0 =	vld [tilespmem:s6+$0x40]  }
0x33: {  	v1 =	vld [tilespmem:s6+$0x440];
	_ =	sdelay $0x3  }
0x34: {  	v2 =	vld [tilespmem:s3+$0x0]  }
0x35: {  	v0 =	vsub.f32 v0, v1;
	_ =	sdelay $0x1  }
0x36: {  	v0 =	vmul.f32 $4.179999830e+00, v0;
	_ =	sdelay $0x1  }
0x37: {  	v0 =	vmul.f32 v0, v2;
	_ =	sdelay $0x1  }
0x38: {  	[tilespmem:s4+$0x0] =	vst v0  }
0x39: {  	v0 =	vld [tilespmem:s6+$0x50]  }
0x3a: {  	v1 =	vld [tilespmem:s6+$0x450];
	_ =	sdelay $0x3  }
0x3b: {  	v2 =	vld [tilespmem:s3+$0x10]  }
0x3c: {  	v0 =	vsub.f32 v0, v1;
	_ =	sdelay $0x1  }
0x3d: {  	v0 =	vmul.f32 $4.179999830e+00, v0;
	_ =	sdelay $0x1  }
0x3e: {  	v0 =	vmul.f32 v0, v2;
	_ =	sdelay $0x1  }
0x3f: {  	[tilespmem:s4+$0x10] =	vst v0  }
0x40: {  	v0 =	vld [tilespmem:s6+$0x60]  }
0x41: {  	v1 =	vld [tilespmem:s6+$0x460];
	_ =	sdelay $0x3  }
0x42: {  	v2 =	vld [tilespmem:s3+$0x20]  }
0x43: {  	v0 =	vsub.f32 v0, v1;
	_ =	sdelay $0x1  }
0x44: {  	v0 =	vmul.f32 $4.179999830e+00, v0;
	_ =	sdelay $0x1  }
0x45: {  	v0 =	vmul.f32 v0, v2;
	_ =	sdelay $0x1  }
0x46: {  	[tilespmem:s4+$0x20] =	vst v0  }
0x47: {  	v0 =	vld [tilespmem:s6+$0x70]  }
0x48: {  	s5 =	sadd.s32 $0x400, s5;
	s31 =	sshll.u32 s1, $0x8;
	v2 =	vld [tilespmem:s6+$0x470]  }
0x49: {  	s5 =	sadd.s32 s5, s31;
	s7 =	simm.s32 $0x100;
	v1 =	vld [tilespmem:s3+$0x30];
	s6 =	simm.s32 $0x1840  }
.LBB2_2:
0x4a: {  	s2 =	sadd.s32 $0x80, s2;
	s4 =	sadd.s32 $0x80, s4;
	s3 =	sadd.s32 $0x80, s3  }
0x4b: {  	p0 =	sne.s32 s7, $0xF00;
	s8 =	smov.u32 s7;
	s7 =	sadd.s32 $0x100, s7  }
0x4c: {  	_ = 	snop  }
0x4d: {  	v0 =	vsub.f32 v0, v2;
	_ =	sdelay $0x1  }
0x4e: {  	v0 =	vmul.f32 $4.179999830e+00, v0;
	_ =	sdelay $0x1  }
0x4f: {  	s8 =	sand.u32 $0x800, s8;
	s9 =	sand.u32 $0x380, s2;
	v0 =	vmul.f32 v0, v1  }
0x50: {  	s8 =	sor.u32 s9, s8  }
0x51: {  	[tilespmem:s6+$0x30] =	vst v0;
	s6 =	smov.u32 s4  }
0x52: {  	v0 =	vld [tilespmem:s8+$0x0]  }
0x53: {  	v1 =	vld [tilespmem:s8+$0x400];
	_ =	sdelay $0x3  }
0x54: {  	v2 =	vld [tilespmem:s3+$0xFFFFFFC0]  }
0x55: {  	v0 =	vsub.f32 v0, v1;
	_ =	sdelay $0x1  }
0x56: {  	v0 =	vmul.f32 $4.179999830e+00, v0;
	_ =	sdelay $0x1  }
0x57: {  	v0 =	vmul.f32 v0, v2;
	_ =	sdelay $0x1  }
0x58: {  	[tilespmem:s4+$0xFFFFFFC0] =	vst v0  }
0x59: {  	v0 =	vld [tilespmem:s8+$0x10]  }
0x5a: {  	v1 =	vld [tilespmem:s8+$0x410];
	_ =	sdelay $0x3  }
0x5b: {  	v2 =	vld [tilespmem:s3+$0xFFFFFFD0]  }
0x5c: {  	v0 =	vsub.f32 v0, v1;
	_ =	sdelay $0x1  }
0x5d: {  	v0 =	vmul.f32 $4.179999830e+00, v0;
	_ =	sdelay $0x1  }
0x5e: {  	v0 =	vmul.f32 v0, v2;
	_ =	sdelay $0x1  }
0x5f: {  	[tilespmem:s4+$0xFFFFFFD0] =	vst v0  }
0x60: {  	v0 =	vld [tilespmem:s8+$0x20]  }
0x61: {  	v1 =	vld [tilespmem:s8+$0x420];
	_ =	sdelay $0x3  }
0x62: {  	v2 =	vld [tilespmem:s3+$0xFFFFFFE0]  }
0x63: {  	v0 =	vsub.f32 v0, v1;
	_ =	sdelay $0x1  }
0x64: {  	v0 =	vmul.f32 $4.179999830e+00, v0;
	_ =	sdelay $0x1  }
0x65: {  	v0 =	vmul.f32 v0, v2;
	_ =	sdelay $0x1  }
0x66: {  	[tilespmem:s4+$0xFFFFFFE0] =	vst v0  }
0x67: {  	v0 =	vld [tilespmem:s8+$0x30]  }
0x68: {  	v1 =	vld [tilespmem:s8+$0x430];
	_ =	sdelay $0x3  }
0x69: {  	v2 =	vld [tilespmem:s3+$0xFFFFFFF0]  }
0x6a: {  	v0 =	vsub.f32 v0, v1;
	_ =	sdelay $0x1  }
0x6b: {  	v0 =	vmul.f32 $4.179999830e+00, v0;
	_ =	sdelay $0x1  }
0x6c: {  	v0 =	vmul.f32 v0, v2;
	_ =	sdelay $0x1  }
0x6d: {  	[tilespmem:s4+$0xFFFFFFF0] =	vst v0  }
0x6e: {  	v0 =	vld [tilespmem:s8+$0x40]  }
0x6f: {  	v1 =	vld [tilespmem:s8+$0x440];
	_ =	sdelay $0x3  }
0x70: {  	v2 =	vld [tilespmem:s3+$0x0]  }
0x71: {  	v0 =	vsub.f32 v0, v1;
	_ =	sdelay $0x1  }
0x72: {  	v0 =	vmul.f32 $4.179999830e+00, v0;
	_ =	sdelay $0x1  }
0x73: {  	v0 =	vmul.f32 v0, v2;
	_ =	sdelay $0x1  }
0x74: {  	[tilespmem:s4+$0x0] =	vst v0  }
0x75: {  	v0 =	vld [tilespmem:s8+$0x50]  }
0x76: {  	v1 =	vld [tilespmem:s8+$0x450]  }
0x77: {  	v2 =	vld [tilespmem:s3+$0x10];
	_ =	sdelay $0x3  }
0x78: {  	v0 =	vsub.f32 v0, v1;
	_ =	sdelay $0x1  }
0x79: {  	v0 =	vmul.f32 $4.179999830e+00, v0;
	_ =	sdelay $0x1  }
0x7a: {  	v0 =	vmul.f32 v0, v2;
	_ =	sdelay $0x1  }
0x7b: {  	[tilespmem:s4+$0x10] =	vst v0  }
0x7c: {  	v0 =	vld [tilespmem:s8+$0x60]  }
0x7d: {  	v1 =	vld [tilespmem:s8+$0x460]  }
0x7e: {  	v2 =	vld [tilespmem:s3+$0x20];
	_ =	sdelay $0x3  }
0x7f: {  	v0 =	vsub.f32 v0, v1;
	_ =	sdelay $0x1  }
0x80: {  	v0 =	vmul.f32 $4.179999830e+00, v0;
	_ =	sdelay $0x1  }
0x81: {  	v0 =	vmul.f32 v0, v2  }
.Ltmp1:
0x82: {  	(pc) =	sbr.rel @p0 .LBB2_2-.Ltmp1, $4  }
0x83: {  	[tilespmem:s4+$0x20] =	vst v0  }
0x84: {  	v0 =	vld [tilespmem:s8+$0x70]  }
0x85: {  	v2 =	vld [tilespmem:s8+$0x470]  }
0x86: {  	v1 =	vld [tilespmem:s3+$0x30]  }
0x87: {  	_ =	sdelay $0x2  }
0x88: {  	v0 =	vsub.f32 v0, v2;
	_ =	sdelay $0x1  }
0x89: {  	v0 =	vmul.f32 $4.179999830e+00, v0;
	_ =	sdelay $0x1  }
0x8a: {  	v0 =	vmul.f32 v0, v1;
	_ =	sdelay $0x1  }
0x8b: {  	s2 =	simm.s32 $0x0;
	s3 =	simm.s32 $0x1800;
	s31 =	simm.s32 $0x2;
	[tilespmem:s6+$0x30] =	vst v0  }
0x8c: {  	[hbm4b:s5+s2] =	stream.linear.scatter [tilespmem:s3], [sflag:$0x2], $0x800, $0x38;
	[tilespmem:$0x2000] =	vst v63  }
0x8d: {  	_ =	swait.ge [sflag:s31], $0x800  }
0x8e: {  	[sflag:s31] =	ssyncset.done $0x0  }
0x8f: {  	[sflag:s31] =	ssyncadd.s32 $0xFFFFF800  }
.LBB2_4:
0x90: {  	_ =	sfence.sel $0x180000  }
0x91: {  	[bflag:$0x0] =	sbarrier.arrive $0xFFFF  }
0x92: {  	p0 =	sne.s32 s1, $0x0;
	_ =	strace $0x90000047  }
0x93: {  	s0 =	sadd.s32 @!p0 $0x100000, s0;
	[bflag:$0x2] =	sbarrier.arrive $0xFFFF  }
0x94: {  	[sflag:s0] =	ssyncadd.tile.s32 @!p0 $0x1;
	_ =	shalt  }
.Lfunc_end2:
_tile_overlayer_lowered:
.L_overlay_start_2:
0x95: {  	(tag) =	ssettag $0x2  }
0x96: {  	s0 =	rddreg [dreg:$0x0];
	s2 =	stileid.u32  }
0x97: {  	s1 =	rddreg [dreg:$0x1];
	p0 =	sne.s32 s2, $0x0  }
0x98: {  	s3 =	rddreg [dreg:$0x2];
	[bflag:$0x3] =	sbarrier.arrive $0xFFFF;
	s2 =	simm.s32 @!p0 $0x1C02  }
0x99: {  	[timem:s3], [sflag:s2] =	dma.local @!p0 [hbm:s0], s1  }
0x9a: {  	s0 =	simm.s32 @!p0 $0x2  }
0x9b: {  	_ =	swait.ge @!p0 [sflag:s0], s1  }
0x9c: {  	s1 =	ssub.s32 @!p0 $0x0, s1;
	[sflag:s0] =	ssyncset.done @!p0 $0x0  }
0x9d: {  	[sflag:s0] =	ssyncadd.s32 @!p0 s1  }
0x9e: {  	[bflag:$0x3] =	sbarrier.arrive $0xFFFF  }
0x9f: {  	_ =	shalt  }

</sc_bundles>
